<compile_context>
chip_gen: v7x
topology: tpu7x:2x2x1
jax: 0.10.2.dev20260603
libtpu: 0.0.44.dev20260713+nightly
codegen_flags: <defaults>
</compile_context>

<pallas_src>
import jax
import jax.numpy as jnp
from jax.experimental import pallas as pl
from jax.experimental.pallas import tpu as pltpu
from jax._src.pallas.mosaic import sc_core as plsc

L = 200
LP = 256
D = 128
NC = 2
NS = 16
RPW = LP // (NC * NS)


def _sc_gather_body(table_ref, idx_ref, out_ref, idx_v, rows_v, sem):
    wid = jax.lax.axis_index("s") * NC + jax.lax.axis_index("c")
    base = wid * RPW
    pltpu.sync_copy(idx_ref.at[pl.ds(base, RPW)], idx_v)
    pltpu.async_copy(table_ref.at[idx_v], rows_v, sem).wait()
    pltpu.sync_copy(rows_v, out_ref.at[pl.ds(base, RPW)])


def _dotT(x, w):
    return jax.lax.dot_general(
        x, w, (((1,), (1,)), ((), ())), preferred_element_type=jnp.float32)


def _tc_body(pt_ref, node_ref, idx_r_ref,
             emb_i_ref, emb_r_ref,
             gv_W1_ref, gv_b1_ref, gv_W2_ref, gv_b2_ref, gv_W3_ref, gv_b3_ref,
             att1_W_ref, att1_b_ref, att2_W_ref, att2_b_ref, att3_W_ref,
             wr1_W_ref, wr1_b_ref, wr2_W_ref, wr2_b_ref,
             out_ref, qj_scr, sem_q):
    pltpu.make_async_copy(
        emb_i_ref.at[pl.ds(node_ref[0], 1), :], qj_scr.at[:, :], sem_q
    ).start()

    ridx = idx_r_ref[:, :]
    rio = jax.lax.broadcasted_iota(jnp.int32, (LP, 5), 1)
    oh = (ridx == rio).astype(jnp.float32)
    er = jax.lax.dot_general(
        oh, emb_r_ref[:, :], (((1,), (0,)), ((), ())),
        preferred_element_type=jnp.float32)

    pt = pt_ref[:, :]

    w1 = gv_W1_ref[:, :]
    f = jax.nn.relu(_dotT(pt, w1[:, :D]) + _dotT(er, w1[:, D:])
                    + gv_b1_ref[:, :])
    f = jax.nn.relu(_dotT(f, gv_W2_ref[:, :]) + gv_b2_ref[:, :])
    f = _dotT(f, gv_W3_ref[:, :]) + gv_b3_ref[:, :]

    pltpu.make_async_copy(
        emb_i_ref.at[pl.ds(0, 1), :], qj_scr.at[:, :], sem_q).wait()
    qj = qj_scr[:, :]

    a1 = att1_W_ref[:, :]
    qterm = _dotT(qj, a1[:, D:])
    a = jax.nn.relu(_dotT(f, a1[:, :D]) + qterm + att1_b_ref[:, :])
    a = jax.nn.relu(_dotT(a, att2_W_ref[:, :]) + att2_b_ref[:, :])
    logits = _dotT(a, att3_W_ref[:, :])

    rows = jax.lax.broadcasted_iota(jnp.int32, (LP, 1), 0)
    logits = jnp.where(rows < L, logits, -1e30)
    m = jnp.max(logits)
    e = jnp.exp(logits - m)
    mu = e / jnp.sum(e)

    zj = jnp.sum(f * mu, axis=0, keepdims=True)
    zj = jax.nn.relu(_dotT(zj, wr1_W_ref[:, :]) + wr1_b_ref[:, :])
    zj = jax.nn.relu(_dotT(zj, wr2_W_ref[:, :]) + wr2_b_ref[:, :])
    out_ref[:, :] = zj


def kernel(nodes_v, history_v, history_vr, embed_i_w, embed_u_w, embed_r_w,
           gv_W1, gv_b1, gv_W2, gv_b2, gv_W3, gv_b3,
           att1_W, att1_b, att2_W, att2_b, att3_W, att3_b,
           wr1_W, wr1_b, wr2_W, wr2_b):
    idx_u = jnp.pad(history_v[0].astype(jnp.int32), (0, LP - L))
    node = nodes_v[0:1].astype(jnp.int32)
    idx_r = jnp.pad(history_vr[0].astype(jnp.int32),
                    (0, LP - L)).reshape(LP, 1)

    gathered = pl.kernel(
        _sc_gather_body,
        out_type=jax.ShapeDtypeStruct((LP, D), jnp.float32),
        mesh=plsc.VectorSubcoreMesh(core_axis_name="c", subcore_axis_name="s"),
        scratch_types=[pltpu.VMEM((RPW,), jnp.int32),
                       pltpu.VMEM((RPW, D), jnp.float32),
                       pltpu.SemaphoreType.DMA],
    )(embed_u_w, idx_u)

    smem = pl.BlockSpec(memory_space=pltpu.SMEM)
    vmem = pl.BlockSpec(memory_space=pltpu.VMEM)
    hbm = pl.BlockSpec(memory_space=pltpu.HBM)

    r2 = lambda b: b.reshape(1, D)
    out = pl.pallas_call(
        _tc_body,
        out_shape=jax.ShapeDtypeStruct((1, D), jnp.float32),
        in_specs=[vmem, smem, vmem,
                  hbm, vmem,
                  vmem, vmem, vmem, vmem, vmem, vmem,
                  vmem, vmem, vmem, vmem, vmem,
                  vmem, vmem, vmem, vmem],
        out_specs=vmem,
        scratch_shapes=[pltpu.VMEM((1, D), jnp.float32),
                        pltpu.SemaphoreType.DMA],
    )(gathered, node, idx_r,
      embed_i_w, embed_r_w,
      gv_W1, r2(gv_b1), gv_W2, r2(gv_b2), gv_W3, r2(gv_b3),
      att1_W, r2(att1_b), att2_W, r2(att2_b), att3_W,
      wr1_W, r2(wr1_b), wr2_W, r2(wr2_b))
    return out

# --- scband reference (transcript-rebuilt; emitter-appended) ---
"""Pipeline reference for scband-item-modeling-45440753992065 (READ-ONLY COPY).

The authoritative reference and input builder live on the scoring server;
editing this copy changes nothing except your own understanding.
"""

import jax, jax.numpy as jnp
import numpy as np

NUM_USERS = 100000
NUM_ITEMS = 100000
NUM_RATINGS = 5
EMBED_DIM = 128
BATCH = 1024
HIST_LEN = 200


def setup_inputs(seed: int = 0) -> dict:
    key = jax.random.key(seed)
    ks = jax.random.split(key, 16)
    d = EMBED_DIM

    def w(k, shape):
        return jax.random.normal(k, shape, dtype=jnp.float32) * 0.02

    inp = {}
    inp['nodes_v'] = jax.random.randint(ks[0], (BATCH,), 0, NUM_ITEMS)
    inp['history_v'] = jax.random.randint(ks[1], (BATCH, HIST_LEN), 0, NUM_USERS)
    inp['history_vr'] = jax.random.randint(ks[2], (BATCH, HIST_LEN), 0, NUM_RATINGS)
    inp['embed_i_w'] = w(ks[3], (NUM_ITEMS, d))
    inp['embed_u_w'] = w(ks[4], (NUM_USERS, d))
    inp['embed_r_w'] = w(ks[5], (NUM_RATINGS, d))
    inp['gv_W1'] = w(ks[6], (d, 2 * d)); inp['gv_b1'] = jnp.zeros((d,), jnp.float32)
    inp['gv_W2'] = w(ks[7], (d, d)); inp['gv_b2'] = jnp.zeros((d,), jnp.float32)
    inp['gv_W3'] = w(ks[8], (d, d)); inp['gv_b3'] = jnp.zeros((d,), jnp.float32)
    inp['att1_W'] = w(ks[9], (d, 2 * d)); inp['att1_b'] = jnp.zeros((d,), jnp.float32)
    inp['att2_W'] = w(ks[10], (d, d)); inp['att2_b'] = jnp.zeros((d,), jnp.float32)
    inp['att3_W'] = w(ks[11], (1, d)); inp['att3_b'] = jnp.zeros((1,), jnp.float32)
    inp['wr1_W'] = w(ks[12], (d, d)); inp['wr1_b'] = jnp.zeros((d,), jnp.float32)
    inp['wr2_W'] = w(ks[13], (d, d)); inp['wr2_b'] = jnp.zeros((d,), jnp.float32)
    return inp


def reference(nodes_v, history_v, history_vr, embed_i_w, embed_u_w, embed_r_w,
              gv_W1, gv_b1, gv_W2, gv_b2, gv_W3, gv_b3,
              att1_W, att1_b, att2_W, att2_b, att3_W, att3_b,
              wr1_W, wr1_b, wr2_W, wr2_b):
    # Faithful to the torch module: `return zj` sits INSIDE the for-loop, so only
    # batch element j = 0 is processed. `self.gu` is read as `self.gv` (the MLP),
    # and w_r1 is applied to zj transposed with a [d, d] weight (see notes).
    j = 0
    j_u_list = history_v[j]
    j_u_label = history_vr[j]
    pt = jnp.take(embed_u_w, j_u_list, axis=0)      # [L, d] user-history embedding gather
    qj = jnp.take(embed_i_w, nodes_v[j], axis=0)    # [d]   item embedding gather
    er = jnp.take(embed_r_w, j_u_label, axis=0)     # [L, d] rating embedding gather
    # gv MLP: Linear(2d,d) -> ReLU -> Linear(d,d) -> ReLU -> Linear(d,d)
    h = jnp.concatenate([pt, er], axis=1)           # [L, 2d]
    fjt = jax.nn.relu(h @ gv_W1.T + gv_b1)
    fjt = jax.nn.relu(fjt @ gv_W2.T + gv_b2)
    fjt = fjt @ gv_W3.T + gv_b3                     # [L, d]
    # Attention over the L history neighbors
    L = fjt.shape[0]
    pi_reps = jnp.tile(qj[None, :], (L, 1))         # u_rep.repeat(num_neighs, 1)
    a = jnp.concatenate([fjt, pi_reps], axis=1)     # [L, 2d]
    a = jax.nn.relu(a @ att1_W.T + att1_b)          # F.dropout is identity in eval mode
    a = jax.nn.relu(a @ att2_W.T + att2_b)
    a = a @ att3_W.T + att3_b                       # [L, 1]
    mu_jt = jax.nn.softmax(a, axis=0)               # softmax over neighbors (dim 0)
    # Weighted aggregation: zj = fjt.t() @ mu_jt -> [d, 1]
    zj = (fjt.T @ mu_jt).T                          # [1, d]
    zj = jax.nn.relu(zj @ wr1_W.T + wr1_b)
    zj = jax.nn.relu(zj @ wr2_W.T + wr2_b)
    return zj                                        # [1, d]

if __name__ == "__main__":
    import jax
    _d = setup_inputs()
    print(jax.jit(kernel)(*tuple(_d.values())))

</pallas_src>

<mosaic_0001>
#map = affine_map<(d0, d1) -> (0, 0)>
#map1 = affine_map<(d0, d1) -> (0)>
module attributes {stable_mosaic.version = 14 : i64} {
  func.func @_sc_gather_body(%arg0: i32, %arg1: i32, %arg2: memref<100000x128xf32, #tpu.memory_space<hbm>>, %arg3: memref<256xi32, #tpu.memory_space<hbm>>, %arg4: memref<256x128xf32, #tpu.memory_space<hbm>>, %arg5: memref<8xi32, #tpu.memory_space<vmem>>, %arg6: memref<8x128xf32, #tpu.memory_space<vmem>>, %arg7: memref<!tpu.dma_semaphore, #tpu.memory_space<semaphore_mem>>) attributes {dimension_semantics = [#tpu.dimension_semantics<core_parallel>, #tpu.dimension_semantics<subcore_parallel>], iteration_bounds = array<i64: 2, 16>, scalar_prefetch = 0 : i64, scratch_operands = 3 : i64, tpu.core_type = #tpu.core_type<sc_vector_subcore>, window_params = [{transform_indices = #map}, {transform_indices = #map1}, {transform_indices = #map}]} {
    %mul3A = arith.constant 2 : i32
    %mul3A_0 = arith.muli %arg1, %mul3A : i32
    %add3A = arith.addi %mul3A_0, %arg0 : i32
    %mul3A_1 = arith.constant 8 : i32
    %mul3A_2 = arith.muli %add3A, %mul3A_1 : i32
    "tpu.region"() ({
      %run_scoped3A = tpu.sem_alloc : memref<!tpu.dma_semaphore, #tpu.memory_space<semaphore_mem>>
      %dma_start3A_7 = tpu.memref_slice %arg3[%mul3A_2] : memref<256xi32, #tpu.memory_space<hbm>> -> memref<8xi32, #tpu.memory_space<hbm>>
      %dma_start3A_8 = tpu.memref_slice %arg3[%mul3A_2] : memref<256xi32, #tpu.memory_space<hbm>> -> memref<8xi32, #tpu.memory_space<hbm>>
      tpu.enqueue_dma source(%dma_start3A_8 : memref<8xi32, #tpu.memory_space<hbm>>) target(%arg5 : memref<8xi32, #tpu.memory_space<vmem>>) target_semaphore(%run_scoped3A : memref<!tpu.dma_semaphore, #tpu.memory_space<semaphore_mem>>)
      %dma_wait3A_9 = tpu.memref_slice %arg3[%mul3A_2] : memref<256xi32, #tpu.memory_space<hbm>> -> memref<8xi32, #tpu.memory_space<hbm>>
      %dma_wait3A_10 = tpu.memref_slice %arg3[%mul3A_2] : memref<256xi32, #tpu.memory_space<hbm>> -> memref<8xi32, #tpu.memory_space<hbm>>
      tpu.wait_dma2 semaphore(%run_scoped3A : memref<!tpu.dma_semaphore, #tpu.memory_space<semaphore_mem>>) src(%dma_wait3A_10 : memref<8xi32, #tpu.memory_space<hbm>>) dst(%arg5 : memref<8xi32, #tpu.memory_space<vmem>>)
      tpu.yield
    }) : () -> ()
    %dma_start3A = arith.constant 0 : i32
    %dma_start3A_3 = arith.constant 0 : i32
    %dma_start3A_4 = tpu.memref_slice %arg2[%dma_start3A, %dma_start3A_3] : memref<100000x128xf32, #tpu.memory_space<hbm>> -> memref<100000x128xf32, #tpu.memory_space<hbm>>
    tpu.enqueue_indirect_dma source(%dma_start3A_4 : memref<100000x128xf32, #tpu.memory_space<hbm>>) target(%arg6 : memref<8x128xf32, #tpu.memory_space<vmem>>) offsets(%arg5 : memref<8xi32, #tpu.memory_space<vmem>>) semaphore(%arg7 : memref<!tpu.dma_semaphore, #tpu.memory_space<semaphore_mem>>)
    %dma_wait3A = arith.constant 0 : i32
    %dma_wait3A_5 = arith.constant 0 : i32
    %dma_wait3A_6 = tpu.memref_slice %arg2[%dma_wait3A, %dma_wait3A_5] : memref<100000x128xf32, #tpu.memory_space<hbm>> -> memref<100000x128xf32, #tpu.memory_space<hbm>>
    tpu.wait_indirect_dma semaphore(%arg7 : memref<!tpu.dma_semaphore, #tpu.memory_space<semaphore_mem>>) src(%dma_wait3A_6 : memref<100000x128xf32, #tpu.memory_space<hbm>>) dst(%arg6 : memref<8x128xf32, #tpu.memory_space<vmem>>)
    "tpu.region"() ({
      %run_scoped3A = tpu.sem_alloc : memref<!tpu.dma_semaphore, #tpu.memory_space<semaphore_mem>>
      %dma_start3A_7 = arith.constant 0 : i32
      %dma_start3A_8 = tpu.memref_slice %arg4[%mul3A_2, %dma_start3A_7] : memref<256x128xf32, #tpu.memory_space<hbm>> -> memref<8x128xf32, #tpu.memory_space<hbm>>
      %dma_start3A_9 = arith.constant 0 : i32
      %dma_start3A_10 = tpu.memref_slice %arg4[%mul3A_2, %dma_start3A_9] : memref<256x128xf32, #tpu.memory_space<hbm>> -> memref<8x128xf32, #tpu.memory_space<hbm>>
      tpu.enqueue_dma source(%arg6 : memref<8x128xf32, #tpu.memory_space<vmem>>) target(%dma_start3A_10 : memref<8x128xf32, #tpu.memory_space<hbm>>) target_semaphore(%run_scoped3A : memref<!tpu.dma_semaphore, #tpu.memory_space<semaphore_mem>>)
      %dma_wait3A_11 = arith.constant 0 : i32
      %dma_wait3A_12 = tpu.memref_slice %arg4[%mul3A_2, %dma_wait3A_11] : memref<256x128xf32, #tpu.memory_space<hbm>> -> memref<8x128xf32, #tpu.memory_space<hbm>>
      %dma_wait3A_13 = arith.constant 0 : i32
      %dma_wait3A_14 = tpu.memref_slice %arg4[%mul3A_2, %dma_wait3A_13] : memref<256x128xf32, #tpu.memory_space<hbm>> -> memref<8x128xf32, #tpu.memory_space<hbm>>
      tpu.wait_dma2 semaphore(%run_scoped3A : memref<!tpu.dma_semaphore, #tpu.memory_space<semaphore_mem>>) src(%arg6 : memref<8x128xf32, #tpu.memory_space<vmem>>) dst(%dma_wait3A_14 : memref<8x128xf32, #tpu.memory_space<hbm>>)
      tpu.yield
    }) : () -> ()
    return
  }
}

module attributes {stable_mosaic.version = 14 : i64} {
  func.func @_tc_body(%arg0: memref<256x128xf32, #tpu.memory_space<vmem>>, %arg1: memref<1xi32, #tpu.memory_space<smem>>, %arg2: memref<256x1xi32, #tpu.memory_space<vmem>>, %arg3: memref<100000x128xf32, #tpu.memory_space<hbm>>, %arg4: memref<5x128xf32, #tpu.memory_space<vmem>>, %arg5: memref<128x256xf32, #tpu.memory_space<vmem>>, %arg6: memref<1x128xf32, #tpu.memory_space<vmem>>, %arg7: memref<128x128xf32, #tpu.memory_space<vmem>>, %arg8: memref<1x128xf32, #tpu.memory_space<vmem>>, %arg9: memref<128x128xf32, #tpu.memory_space<vmem>>, %arg10: memref<1x128xf32, #tpu.memory_space<vmem>>, %arg11: memref<128x256xf32, #tpu.memory_space<vmem>>, %arg12: memref<1x128xf32, #tpu.memory_space<vmem>>, %arg13: memref<128x128xf32, #tpu.memory_space<vmem>>, %arg14: memref<1x128xf32, #tpu.memory_space<vmem>>, %arg15: memref<1x128xf32, #tpu.memory_space<vmem>>, %arg16: memref<128x128xf32, #tpu.memory_space<vmem>>, %arg17: memref<1x128xf32, #tpu.memory_space<vmem>>, %arg18: memref<128x128xf32, #tpu.memory_space<vmem>>, %arg19: memref<1x128xf32, #tpu.memory_space<vmem>>, %arg20: memref<1x128xf32, #tpu.memory_space<vmem>>, %arg21: memref<1x128xf32, #tpu.memory_space<vmem>>, %arg22: memref<!tpu.dma_semaphore, #tpu.memory_space<semaphore_mem>>) attributes {dimension_semantics = [], scalar_prefetch = 0 : i64, scratch_operands = 2 : i64, tpu.core_type = #tpu.core_type<tc>} {
    %get3A = arith.constant 0 : index
    %get3A_0 = memref.load %arg1[%get3A] : memref<1xi32, #tpu.memory_space<smem>>
    %dma_start3A = arith.constant 0 : i32
    %dma_start3A_1 = arith.constant 0 : i32
    %dma_start3A_2 = tpu.memref_slice %arg21[%dma_start3A, %dma_start3A_1] : memref<1x128xf32, #tpu.memory_space<vmem>> -> memref<1x128xf32, #tpu.memory_space<vmem>>
    %dma_start3A_3 = arith.constant 0 : i32
    %dma_start3A_4 = tpu.memref_slice %arg3[%get3A_0, %dma_start3A_3] : memref<100000x128xf32, #tpu.memory_space<hbm>> -> memref<1x128xf32, #tpu.memory_space<hbm>>
    tpu.enqueue_dma source(%dma_start3A_4 : memref<1x128xf32, #tpu.memory_space<hbm>>) target(%dma_start3A_2 : memref<1x128xf32, #tpu.memory_space<vmem>>) target_semaphore(%arg22 : memref<!tpu.dma_semaphore, #tpu.memory_space<semaphore_mem>>)
    %get3A_5 = arith.constant 0 : index
    %get3A_6 = arith.constant 0 : index
    %get3A_7 = vector.load %arg2[%get3A_5, %get3A_6] : memref<256x1xi32, #tpu.memory_space<vmem>>, vector<256x1xi32>
    %iota3A = tpu.iota {dimensions = array<i32: 1>} : vector<256x5xi32>
    %eq3A = vector.broadcast %get3A_7 : vector<256x1xi32> to vector<256x5xi32>
    %eq3A_8 = arith.cmpi eq, %eq3A, %iota3A : vector<256x5xi32>
    %convert_element_type3A = arith.extui %eq3A_8 : vector<256x5xi1> to vector<256x5xi32>
    %convert_element_type3A_9 = arith.sitofp %convert_element_type3A : vector<256x5xi32> to vector<256x5xf32>
    %get3A_10 = arith.constant 0 : index
    %get3A_11 = arith.constant 0 : index
    %get3A_12 = vector.load %arg4[%get3A_10, %get3A_11] : memref<5x128xf32, #tpu.memory_space<vmem>>, vector<5x128xf32>
    %dot_general3A = arith.constant dense<0.000000e+00> : vector<256x128xf32>
    %dot_general3A_13 = tpu.matmul %convert_element_type3A_9, %get3A_12, %dot_general3A {dimension_numbers = #tpu.dot_dimension_numbers<[1], [0], [0], [1], [0, 0, 1, 1], [], []>, transpose_lhs_hint = false} : vector<256x5xf32>, vector<5x128xf32>, vector<256x128xf32> -> vector<256x128xf32>
    %get3A_14 = arith.constant 0 : index
    %get3A_15 = arith.constant 0 : index
    %get3A_16 = vector.load %arg0[%get3A_14, %get3A_15] : memref<256x128xf32, #tpu.memory_space<vmem>>, vector<256x128xf32>
    %get3A_17 = arith.constant 0 : index
    %get3A_18 = arith.constant 0 : index
    %get3A_19 = vector.load %arg5[%get3A_17, %get3A_18] : memref<128x256xf32, #tpu.memory_space<vmem>>, vector<128x256xf32>
    %slice3A = vector.extract_strided_slice %get3A_19 {offsets = [0, 0], sizes = [128, 128], strides = [1, 1]} : vector<128x256xf32> to vector<128x128xf32>
    %dot_general3A_20 = arith.constant dense<0.000000e+00> : vector<256x128xf32>
    %dot_general3A_21 = tpu.matmul %get3A_16, %slice3A, %dot_general3A_20 {dimension_numbers = #tpu.dot_dimension_numbers<[1], [1], [0], [0], [0, 0, 1, 0], [], []>, transpose_lhs_hint = false} : vector<256x128xf32>, vector<128x128xf32>, vector<256x128xf32> -> vector<256x128xf32>
    %slice3A_22 = vector.extract_strided_slice %get3A_19 {offsets = [0, 128], sizes = [128, 128], strides = [1, 1]} : vector<128x256xf32> to vector<128x128xf32>
    %dot_general3A_23 = arith.constant dense<0.000000e+00> : vector<256x128xf32>
    %dot_general3A_24 = tpu.matmul %dot_general3A_13, %slice3A_22, %dot_general3A_23 {dimension_numbers = #tpu.dot_dimension_numbers<[1], [1], [0], [0], [0, 0, 1, 0], [], []>, transpose_lhs_hint = false} : vector<256x128xf32>, vector<128x128xf32>, vector<256x128xf32> -> vector<256x128xf32>
    %add3A = arith.addf %dot_general3A_21, %dot_general3A_24 : vector<256x128xf32>
    %get3A_25 = arith.constant 0 : index
    %get3A_26 = arith.constant 0 : index
    %get3A_27 = vector.load %arg6[%get3A_25, %get3A_26] : memref<1x128xf32, #tpu.memory_space<vmem>>, vector<1x128xf32>
    %add3A_28 = vector.broadcast %get3A_27 : vector<1x128xf32> to vector<256x128xf32>
    %add3A_29 = arith.addf %add3A, %add3A_28 : vector<256x128xf32>
    %max3A = arith.constant 0.000000e+00 : f32
    %max3A_30 = vector.broadcast %max3A : f32 to vector<256x128xf32>
    %max3A_31 = arith.maximumf %add3A_29, %max3A_30 : vector<256x128xf32>
    %get3A_32 = arith.constant 0 : index
    %get3A_33 = arith.constant 0 : index
    %get3A_34 = vector.load %arg7[%get3A_32, %get3A_33] : memref<128x128xf32, #tpu.memory_space<vmem>>, vector<128x128xf32>
    %dot_general3A_35 = arith.constant dense<0.000000e+00> : vector<256x128xf32>
    %dot_general3A_36 = tpu.matmul %max3A_31, %get3A_34, %dot_general3A_35 {dimension_numbers = #tpu.dot_dimension_numbers<[1], [1], [0], [0], [0, 0, 1, 0], [], []>, transpose_lhs_hint = false} : vector<256x128xf32>, vector<128x128xf32>, vector<256x128xf32> -> vector<256x128xf32>
    %get3A_37 = arith.constant 0 : index
    %get3A_38 = arith.constant 0 : index
    %get3A_39 = vector.load %arg8[%get3A_37, %get3A_38] : memref<1x128xf32, #tpu.memory_space<vmem>>, vector<1x128xf32>
    %add3A_40 = vector.broadcast %get3A_39 : vector<1x128xf32> to vector<256x128xf32>
    %add3A_41 = arith.addf %dot_general3A_36, %add3A_40 : vector<256x128xf32>
    %max3A_42 = arith.constant 0.000000e+00 : f32
    %max3A_43 = vector.broadcast %max3A_42 : f32 to vector<256x128xf32>
    %max3A_44 = arith.maximumf %add3A_41, %max3A_43 : vector<256x128xf32>
    %get3A_45 = arith.constant 0 : index
    %get3A_46 = arith.constant 0 : index
    %get3A_47 = vector.load %arg9[%get3A_45, %get3A_46] : memref<128x128xf32, #tpu.memory_space<vmem>>, vector<128x128xf32>
    %dot_general3A_48 = arith.constant dense<0.000000e+00> : vector<256x128xf32>
    %dot_general3A_49 = tpu.matmul %max3A_44, %get3A_47, %dot_general3A_48 {dimension_numbers = #tpu.dot_dimension_numbers<[1], [1], [0], [0], [0, 0, 1, 0], [], []>, transpose_lhs_hint = false} : vector<256x128xf32>, vector<128x128xf32>, vector<256x128xf32> -> vector<256x128xf32>
    %get3A_50 = arith.constant 0 : index
    %get3A_51 = arith.constant 0 : index
    %get3A_52 = vector.load %arg10[%get3A_50, %get3A_51] : memref<1x128xf32, #tpu.memory_space<vmem>>, vector<1x128xf32>
    %add3A_53 = vector.broadcast %get3A_52 : vector<1x128xf32> to vector<256x128xf32>
    %add3A_54 = arith.addf %dot_general3A_49, %add3A_53 : vector<256x128xf32>
    %dma_wait3A = arith.constant 0 : i32
    %dma_wait3A_55 = arith.constant 0 : i32
    %dma_wait3A_56 = tpu.memref_slice %arg21[%dma_wait3A, %dma_wait3A_55] : memref<1x128xf32, #tpu.memory_space<vmem>> -> memref<1x128xf32, #tpu.memory_space<vmem>>
    %dma_wait3A_57 = arith.constant 0 : i32
    %dma_wait3A_58 = arith.constant 0 : i32
    %dma_wait3A_59 = tpu.memref_slice %arg3[%dma_wait3A_57, %dma_wait3A_58] : memref<100000x128xf32, #tpu.memory_space<hbm>> -> memref<1x128xf32, #tpu.memory_space<hbm>>
    tpu.wait_dma2 semaphore(%arg22 : memref<!tpu.dma_semaphore, #tpu.memory_space<semaphore_mem>>) src(%dma_wait3A_59 : memref<1x128xf32, #tpu.memory_space<hbm>>) dst(%dma_wait3A_56 : memref<1x128xf32, #tpu.memory_space<vmem>>)
    %get3A_60 = arith.constant 0 : index
    %get3A_61 = arith.constant 0 : index
    %get3A_62 = vector.load %arg21[%get3A_60, %get3A_61] : memref<1x128xf32, #tpu.memory_space<vmem>>, vector<1x128xf32>
    %get3A_63 = arith.constant 0 : index
    %get3A_64 = arith.constant 0 : index
    %get3A_65 = vector.load %arg11[%get3A_63, %get3A_64] : memref<128x256xf32, #tpu.memory_space<vmem>>, vector<128x256xf32>
    %slice3A_66 = vector.extract_strided_slice %get3A_65 {offsets = [0, 128], sizes = [128, 128], strides = [1, 1]} : vector<128x256xf32> to vector<128x128xf32>
    %dot_general3A_67 = arith.constant dense<0.000000e+00> : vector<1x128xf32>
    %dot_general3A_68 = tpu.matmul %get3A_62, %slice3A_66, %dot_general3A_67 {dimension_numbers = #tpu.dot_dimension_numbers<[1], [1], [0], [0], [0, 0, 1, 0], [], []>, transpose_lhs_hint = false} : vector<1x128xf32>, vector<128x128xf32>, vector<1x128xf32> -> vector<1x128xf32>
    %slice3A_69 = vector.extract_strided_slice %get3A_65 {offsets = [0, 0], sizes = [128, 128], strides = [1, 1]} : vector<128x256xf32> to vector<128x128xf32>
    %dot_general3A_70 = arith.constant dense<0.000000e+00> : vector<256x128xf32>
    %dot_general3A_71 = tpu.matmul %add3A_54, %slice3A_69, %dot_general3A_70 {dimension_numbers = #tpu.dot_dimension_numbers<[1], [1], [0], [0], [0, 0, 1, 0], [], []>, transpose_lhs_hint = false} : vector<256x128xf32>, vector<128x128xf32>, vector<256x128xf32> -> vector<256x128xf32>
    %add3A_72 = vector.broadcast %dot_general3A_68 : vector<1x128xf32> to vector<256x128xf32>
    %add3A_73 = arith.addf %dot_general3A_71, %add3A_72 : vector<256x128xf32>
    %get3A_74 = arith.constant 0 : index
    %get3A_75 = arith.constant 0 : index
    %get3A_76 = vector.load %arg12[%get3A_74, %get3A_75] : memref<1x128xf32, #tpu.memory_space<vmem>>, vector<1x128xf32>
    %add3A_77 = vector.broadcast %get3A_76 : vector<1x128xf32> to vector<256x128xf32>
    %add3A_78 = arith.addf %add3A_73, %add3A_77 : vector<256x128xf32>
    %max3A_79 = arith.constant 0.000000e+00 : f32
    %max3A_80 = vector.broadcast %max3A_79 : f32 to vector<256x128xf32>
    %max3A_81 = arith.maximumf %add3A_78, %max3A_80 : vector<256x128xf32>
    %get3A_82 = arith.constant 0 : index
    %get3A_83 = arith.constant 0 : index
    %get3A_84 = vector.load %arg13[%get3A_82, %get3A_83] : memref<128x128xf32, #tpu.memory_space<vmem>>, vector<128x128xf32>
    %dot_general3A_85 = arith.constant dense<0.000000e+00> : vector<256x128xf32>
    %dot_general3A_86 = tpu.matmul %max3A_81, %get3A_84, %dot_general3A_85 {dimension_numbers = #tpu.dot_dimension_numbers<[1], [1], [0], [0], [0, 0, 1, 0], [], []>, transpose_lhs_hint = false} : vector<256x128xf32>, vector<128x128xf32>, vector<256x128xf32> -> vector<256x128xf32>
    %get3A_87 = arith.constant 0 : index
    %get3A_88 = arith.constant 0 : index
    %get3A_89 = vector.load %arg14[%get3A_87, %get3A_88] : memref<1x128xf32, #tpu.memory_space<vmem>>, vector<1x128xf32>
    %add3A_90 = vector.broadcast %get3A_89 : vector<1x128xf32> to vector<256x128xf32>
    %add3A_91 = arith.addf %dot_general3A_86, %add3A_90 : vector<256x128xf32>
    %max3A_92 = arith.constant 0.000000e+00 : f32
    %max3A_93 = vector.broadcast %max3A_92 : f32 to vector<256x128xf32>
    %max3A_94 = arith.maximumf %add3A_91, %max3A_93 : vector<256x128xf32>
    %get3A_95 = arith.constant 0 : index
    %get3A_96 = arith.constant 0 : index
    %get3A_97 = vector.load %arg15[%get3A_95, %get3A_96] : memref<1x128xf32, #tpu.memory_space<vmem>>, vector<1x128xf32>
    %dot_general3A_98 = arith.constant dense<0.000000e+00> : vector<256x1xf32>
    %dot_general3A_99 = tpu.matmul %max3A_94, %get3A_97, %dot_general3A_98 {dimension_numbers = #tpu.dot_dimension_numbers<[1], [1], [0], [0], [0, 0, 1, 0], [], []>, transpose_lhs_hint = false} : vector<256x128xf32>, vector<1x128xf32>, vector<256x1xf32> -> vector<256x1xf32>
    %iota3A_100 = tpu.iota {dimensions = array<i32: 0>} : vector<256x1xi32>
    %lt3A = arith.constant 200 : i32
    %lt3A_101 = vector.broadcast %lt3A : i32 to vector<256x1xi32>
    %lt3A_102 = arith.cmpi slt, %iota3A_100, %lt3A_101 : vector<256x1xi32>
    %jit3A = arith.constant -1.000000e+30 : f32
    %broadcast_in_dim3A = vector.broadcast %jit3A : f32 to vector<256x1xf32>
    %select_n3A = arith.select %lt3A_102, %dot_general3A_99, %broadcast_in_dim3A : vector<256x1xi1>, vector<256x1xf32>
    %reduce_max3A = vector.shape_cast %select_n3A : vector<256x1xf32> to vector<1x256x1xf32>
    %reduce_max3A_103 = arith.constant dense<0xFF800000> : vector<1xf32>
    %reduce_max3A_104 = vector.multi_reduction <maximumf>, %reduce_max3A, %reduce_max3A_103 [1, 2] : vector<1x256x1xf32> to vector<1xf32>
    %reduce_max3A_105 = vector.shape_cast %reduce_max3A_104 : vector<1xf32> to vector<1x1x1xf32>
    %reduce_max3A_106 = vector.extract %reduce_max3A_105[0, 0, 0] : f32 from vector<1x1x1xf32>
    %sub3A = vector.broadcast %reduce_max3A_106 : f32 to vector<256x1xf32>
    %sub3A_107 = arith.subf %select_n3A, %sub3A : vector<256x1xf32>
    %exp3A = math.exp %sub3A_107 : vector<256x1xf32>
    %reduce_sum3A = vector.shape_cast %exp3A : vector<256x1xf32> to vector<1x256x1xf32>
    %reduce_sum3A_108 = arith.constant dense<0.000000e+00> : vector<1xf32>
    %reduce_sum3A_109 = vector.multi_reduction <add>, %reduce_sum3A, %reduce_sum3A_108 [1, 2] : vector<1x256x1xf32> to vector<1xf32>
    %reduce_sum3A_110 = vector.shape_cast %reduce_sum3A_109 : vector<1xf32> to vector<1x1x1xf32>
    %reduce_sum3A_111 = vector.extract %reduce_sum3A_110[0, 0, 0] : f32 from vector<1x1x1xf32>
    %div3A = vector.broadcast %reduce_sum3A_111 : f32 to vector<256x1xf32>
    %div3A_112 = arith.divf %exp3A, %div3A : vector<256x1xf32>
    %mul3A = vector.broadcast %div3A_112 : vector<256x1xf32> to vector<256x128xf32>
    %mul3A_113 = arith.mulf %add3A_54, %mul3A : vector<256x128xf32>
    %reduce_sum3A_114 = arith.constant dense<0.000000e+00> : vector<128xf32>
    %reduce_sum3A_115 = vector.multi_reduction <add>, %mul3A_113, %reduce_sum3A_114 [0] : vector<256x128xf32> to vector<128xf32>
    %broadcast_in_dim3A_116 = vector.shape_cast %reduce_sum3A_115 : vector<128xf32> to vector<1x128xf32>
    %get3A_117 = arith.constant 0 : index
    %get3A_118 = arith.constant 0 : index
    %get3A_119 = vector.load %arg16[%get3A_117, %get3A_118] : memref<128x128xf32, #tpu.memory_space<vmem>>, vector<128x128xf32>
    %dot_general3A_120 = arith.constant dense<0.000000e+00> : vector<1x128xf32>
    %dot_general3A_121 = tpu.matmul %broadcast_in_dim3A_116, %get3A_119, %dot_general3A_120 {dimension_numbers = #tpu.dot_dimension_numbers<[1], [1], [0], [0], [0, 0, 1, 0], [], []>, transpose_lhs_hint = false} : vector<1x128xf32>, vector<128x128xf32>, vector<1x128xf32> -> vector<1x128xf32>
    %get3A_122 = arith.constant 0 : index
    %get3A_123 = arith.constant 0 : index
    %get3A_124 = vector.load %arg17[%get3A_122, %get3A_123] : memref<1x128xf32, #tpu.memory_space<vmem>>, vector<1x128xf32>
    %add3A_125 = arith.addf %dot_general3A_121, %get3A_124 : vector<1x128xf32>
    %max3A_126 = arith.constant 0.000000e+00 : f32
    %max3A_127 = vector.broadcast %max3A_126 : f32 to vector<1x128xf32>
    %max3A_128 = arith.maximumf %add3A_125, %max3A_127 : vector<1x128xf32>
    %get3A_129 = arith.constant 0 : index
    %get3A_130 = arith.constant 0 : index
    %get3A_131 = vector.load %arg18[%get3A_129, %get3A_130] : memref<128x128xf32, #tpu.memory_space<vmem>>, vector<128x128xf32>
    %dot_general3A_132 = arith.constant dense<0.000000e+00> : vector<1x128xf32>
    %dot_general3A_133 = tpu.matmul %max3A_128, %get3A_131, %dot_general3A_132 {dimension_numbers = #tpu.dot_dimension_numbers<[1], [1], [0], [0], [0, 0, 1, 0], [], []>, transpose_lhs_hint = false} : vector<1x128xf32>, vector<128x128xf32>, vector<1x128xf32> -> vector<1x128xf32>
    %get3A_134 = arith.constant 0 : index
    %get3A_135 = arith.constant 0 : index
    %get3A_136 = vector.load %arg19[%get3A_134, %get3A_135] : memref<1x128xf32, #tpu.memory_space<vmem>>, vector<1x128xf32>
    %add3A_137 = arith.addf %dot_general3A_133, %get3A_136 : vector<1x128xf32>
    %max3A_138 = arith.constant 0.000000e+00 : f32
    %max3A_139 = vector.broadcast %max3A_138 : f32 to vector<1x128xf32>
    %max3A_140 = arith.maximumf %add3A_137, %max3A_139 : vector<1x128xf32>
    %swap3A = arith.constant 0 : index
    %swap3A_141 = arith.constant 0 : index
    %swap3A_142 = vector.load %arg20[%swap3A, %swap3A_141] : memref<1x128xf32, #tpu.memory_space<vmem>>, vector<1x128xf32>
    tpu.vector_store %arg20[%swap3A, %swap3A_141], %max3A_140 {strides = array<i32>} : memref<1x128xf32, #tpu.memory_space<vmem>>, vector<1x128xf32>,
    return
  }
}

</mosaic_0001>

<sc_bundles>
// kernel: kernel.4.cloned.1.call-start
scs
__scs_entry_jumppad:
0x0: {  	(pc) =	sbr.rel $0x88, $3  }
0x1: {  	(tag) =	ssettag $0x0;
	lr =	simm.s32 $0x1  }
0x2: {  	[smem:$0x3F8C] =	sst lr;
	_ =	strace $0xD0000000  }
0x3: {  	_ = 	snop  }
0x4: {  	_ = 	snop  }
0x5: {  	_ = 	snop  }
0x6: {  	_ = 	snop  }
0x7: {  	_ = 	snop  }
__scs_overlays_trampoline_lowered:
0x8: {  	[smem:$0x3F9B] =	sst s0  }
0x9: {  	[smem:$0x3F9C] =	sst s1  }
0xa: {  	[smem:$0x3F9D] =	sst s2  }
0xb: {  	[smem:$0x3F9E] =	sst s3  }
0xc: {  	[smem:$0x3F9F] =	sst s4  }
0xd: {  	[smem:$0x3FA0] =	sst s5  }
0xe: {  	[smem:$0x3FA1] =	sst s6  }
0xf: {  	[smem:$0x3FA2] =	sst s7  }
0x10: {  	[smem:$0x3FA3] =	sst s8  }
0x11: {  	[smem:$0x3FA4] =	sst s9;
	s0 =	simm.s32 @!p0 $0x0  }
0x12: {  	s1 =	sld [smem:$0x3F8A];
	s0 =	simm.s32 @p0 $0x1  }
0x13: {  	[smem:$0x3FA5] =	sst s0;
	s0 =	simm.s32 @!p1 $0x0  }
0x14: {  	s2 =	sld [smem:$0x3F89];
	s0 =	simm.s32 @p1 $0x1  }
0x15: {  	[smem:$0x3FA6] =	sst s0;
	s0 =	simm.s32 @!p2 $0x0  }
0x16: {  	s3 =	sld [smem:$0x3FDB];
	s0 =	simm.s32 @p2 $0x1  }
0x17: {  	s4 =	simm.s32 $0x1BF5;
	[smem:$0x3FA8] =	sst s0  }
0x18: {  	s0 =	sld [smem:$0x3F8B];
	_ =	swait.ge [sflag:s4], $0x0  }
0x19: {  	s7 =	sld [smem:$0x3F8C]  }
0x1a: {  	s8 =	sadd.s32 $0xFFFFE003, lr  }
0x1b: {  	s9 =	sadd.s32 $0xFFFFFEF7, lr;
	s5 =	simm.s32 $0xFFFFFFFF;
	p2 =	slt.u32 s8, $0xFFFFF086  }
0x1c: {  	p1 =	slt.u32 s9, $0xF7A;
	s5 =	simm.s32 @!p2 $0x0  }
0x1d: {  	s5 =	simm.s32 @p1 $0x1;
	p0 =	seq.s32 s7, s2  }
0x1e: {  	s7 =	smul.u32 @!p0 $0xF7A, s2;
	p2 =	seq.s32 @!p0 s5, $0x0  }
0x1f: {  	s9 =	smul.u32 $0xF7A, s1;
	s8 =	simm.s32 @!p0 $0x1BF5;
	p2 =	por !p2, p0  }
0x20: {  	[sflag:s8] =	ssyncset.s32 @!p0 $0xFFFFF086;
	s6 =	sadd.s32 @!p0 s3, s7;
	s7 =	simm.s32 @!p0 $0x108  }
0x21: {  	s3 =	sadd.s32 s3, s9;
	s6 =	sadd.s32 @!p0 $0x88, s6;
	s7 =	simm.s32 @p2 $0x1082  }
0x22: {  	[simem:s7], [sflag:s8] =	dma.local @!p0 [hbm:s6], $0xF7A  }
0x23: {  	s9 =	sor.u32 $0xD0000000, s2;
	s6 =	simm.s32 $0x108;
	_ =	swait.ge @!p0 [sflag:s8], $0x0  }
0x24: {  	s3 =	sadd.s32 $0x88, s3;
	s6 =	simm.s32 @!p1 $0x1082;
	[sflag:s4] =	ssyncset.s32 $0xFFFFF086  }
0x25: {  	[simem:s6], [sflag:s4] =	dma.local [hbm:s3], $0xF7A  }
0x26: {  	[smem:$0x3F8C] =	sst s1;
	(tag) =	ssettag s2;
	_ =	strace s9  }
0x27: {  	s1 =	sld [smem:$0x3F9C]  }
0x28: {  	s2 =	sld [smem:$0x3F9D]  }
0x29: {  	s4 =	sld [smem:$0x3F9F]  }
0x2a: {  	p0 =	seq.s32 s5, $0x0;
	s5 =	sld [smem:$0x3FA0]  }
0x2b: {  	s6 =	sld [smem:$0x3FA1]  }
0x2c: {  	s7 =	sld [smem:$0x3FA2]  }
0x2d: {  	s3 =	simm.s32 $0x108;
	s8 =	sld [smem:$0x3FA3]  }
0x2e: {  	s3 =	simm.s32 @!p0 $0x1082;
	s9 =	sld [smem:$0x3FA4]  }
0x2f: {  	lr =	sadd.s32 s0, s3;
	s0 =	sld [smem:$0x3F9B]  }
0x30: {  	s3 =	sld [smem:$0x3F9E]  }
0x31: {  	[smem:$0x3FA7] =	sst s10  }
0x32: {  	s10 =	sld [smem:$0x3FA5];
	_ =	sdelay $0x3  }
0x33: {  	p0 =	seq.s32 s10, $0x1;
	s10 =	sld [smem:$0x3FA7];
	_ =	sdelay $0x3  }
0x34: {  	[smem:$0x3FA7] =	sst s10  }
0x35: {  	s10 =	sld [smem:$0x3FA6];
	_ =	sdelay $0x3  }
0x36: {  	p1 =	seq.s32 s10, $0x1;
	s10 =	sld [smem:$0x3FA7];
	_ =	sdelay $0x3  }
0x37: {  	[smem:$0x3FA7] =	sst s10  }
0x38: {  	s10 =	sld [smem:$0x3FA8]  }
0x39: {  	_ = 	snop;
	(pc) =	sbr.ind lr, $3  }
0x3a: {  	_ = 	snop  }
0x3b: {  	_ = 	snop  }
0x3c: {  	p2 =	seq.s32 s10, $0x1;
	s10 =	sld [smem:$0x3FA7]  }
0x3d: {  	_ =	shalt  }
0x3e: {  	_ =	shalt  }
0x3f: {  	_ =	shalt  }
0x40: {  	_ =	shalt  }
0x41: {  	_ =	shalt  }
0x42: {  	_ =	shalt  }
0x43: {  	_ =	shalt  }
0x44: {  	_ =	shalt  }
0x45: {  	_ =	shalt  }
0x46: {  	_ =	shalt  }
0x47: {  	_ =	shalt  }
0x48: {  	_ =	shalt  }
0x49: {  	_ =	shalt  }
0x4a: {  	_ =	shalt  }
0x4b: {  	_ =	shalt  }
0x4c: {  	_ =	shalt  }
0x4d: {  	_ =	shalt  }
0x4e: {  	_ =	shalt  }
0x4f: {  	_ =	shalt  }
0x50: {  	_ =	shalt  }
0x51: {  	_ =	shalt  }
0x52: {  	_ =	shalt  }
0x53: {  	_ =	shalt  }
0x54: {  	_ =	shalt  }
0x55: {  	_ =	shalt  }
0x56: {  	_ =	shalt  }
0x57: {  	_ =	shalt  }
0x58: {  	_ =	shalt  }
0x59: {  	_ =	shalt  }
0x5a: {  	_ =	shalt  }
0x5b: {  	_ =	shalt  }
0x5c: {  	_ =	shalt  }
0x5d: {  	_ =	shalt  }
0x5e: {  	_ =	shalt  }
0x5f: {  	_ =	shalt  }
0x60: {  	_ =	shalt  }
0x61: {  	_ =	shalt  }
0x62: {  	_ =	shalt  }
0x63: {  	_ =	shalt  }
0x64: {  	_ =	shalt  }
0x65: {  	_ =	shalt  }
0x66: {  	_ =	shalt  }
0x67: {  	_ =	shalt  }
0x68: {  	_ =	shalt  }
0x69: {  	_ =	shalt  }
0x6a: {  	_ =	shalt  }
0x6b: {  	_ =	shalt  }
0x6c: {  	_ =	shalt  }
0x6d: {  	_ =	shalt  }
0x6e: {  	_ =	shalt  }
0x6f: {  	_ =	shalt  }
0x70: {  	_ =	shalt  }
0x71: {  	_ =	shalt  }
0x72: {  	_ =	shalt  }
0x73: {  	_ =	shalt  }
0x74: {  	_ =	shalt  }
0x75: {  	_ =	shalt  }
0x76: {  	_ =	shalt  }
0x77: {  	_ =	shalt  }
0x78: {  	_ =	shalt  }
0x79: {  	_ =	shalt  }
0x7a: {  	_ =	shalt  }
0x7b: {  	_ =	shalt  }
0x7c: {  	_ =	shalt  }
0x7d: {  	_ =	shalt  }
0x7e: {  	_ =	shalt  }
0x7f: {  	_ =	shalt  }
0x80: {  	_ =	shalt  }
0x81: {  	_ =	shalt  }
0x82: {  	_ =	shalt  }
0x83: {  	_ =	shalt  }
0x84: {  	_ =	shalt  }
0x85: {  	_ =	shalt  }
0x86: {  	_ =	shalt  }
0x87: {  	_ =	shalt  }
.Lfunc_end0:
.L_simem_size_0:
called_computation_lowered:
.L_overlay_start_0:
0x88: {  	s2 =	sld [smem:$0x3FD9]  }
0x89: {  	s3 =	sld [smem:$0x3FFE];
	_ =	sdelay $0x1  }
0x8a: {  	s1 =	srdreg.scid  }
0x8b: {  	s0 =	sand.u32 $0x1, s1  }
0x8c: {  	s17 =	sshll.u32 s0, $0xA;
	s2 =	sadd.s32 s3, s2  }
0x8d: {  	s2 =	sadd.s32 s2, s17  }
0x8e: {  	[smem:$0x3FB3] =	sst s2  }
0x8f: {  	_ = 	snop  }
0x90: {  	s2 =	sld [smem:$0x3FC5];
	(tm) =	ssettm $0x1  }
0x91: {  	s18 =	sld [smem:$0x3FFB];
	_ =	sdelay $0x3  }
0x92: {  	_ =	strace s18  }
0x93: {  	s3 =	sld [smem:$0x3FFC];
	_ =	sdelay $0x3  }
0x94: {  	_ =	strace s3  }
0x95: {  	s3 =	sld [smem:$0x3FFD];
	_ =	sdelay $0x3  }
0x96: {  	_ =	strace s3  }
0x97: {  	_ =	strace $0x8FFFFFFF  }
0x98: {  	s19 =	sld [smem:$0x3FDB];
	_ =	sdelay $0x1  }
0x99: {  	s4 =	simm.s32 $_scs_section_size  }
0x9a: {  	s5 =	simm.s32 $_size__tile_overlayer_lowered;
	s6 =	simm.s32 $_tile_overlayer_lowered  }
0x9b: {  	s22 =	simm.s32 $0x1BFF;
	s21 =	sshll.u32 s6, $0x1;
	s3 =	sadd.s32 s4, s19  }
0x9c: {  	s7 =	simm.s32 $0x0;
	s20 =	sshll.u32 s5, $0x1;
	s5 =	sadd.s32 s21, s3  }
0x9d: {  	[timem:s7], [sflag:s22] =	dma.local [hbm:s5], s20  }
0x9e: {  	_ =	swait.ge [sflag:s22], s20  }
0x9f: {  	s4 =	ssub.s32 $0x0, s20;
	[sflag:s22] =	ssyncset.done $0x0  }
0xa0: {  	[sflag:s22] =	ssyncadd.s32 s4;
	_ =	sdelay $0x1  }
0xa1: {  	s23 =	simm.s32 $0x1B8B  }
0xa2: {  	_ =	swait.ge [sflag:s23], $0x1  }
0xa3: {  	[sflag:s23] =	ssyncset.done $0x0  }
0xa4: {  	s25 =	simm.s32 $0x1B8E;
	s24 =	sld [smem:$0x3FFE];
	[sflag:s23] =	ssyncadd.s32 $0xFFFFFFFF  }
0xa5: {  	s26 =	simm.s32 $execute0_lowered;
	[smem:$0x3FD2] =	sst s25  }
0xa6: {  	s5 =	sshll.u32 s26, $0x1;
	_ =	strace $0x80000046;
	[dreg:$0x1] =	wrdreg $0xFFFFFFFF  }
0xa7: {  	s28 =	simm.s32 $_size_execute0_lowered;
	s3 =	sadd.s32 s3, s5;
	[dreg:$0x0] =	wrdreg $0x0  }
0xa8: {  	s5 =	sshll.u32 s28, $0x1;
	[dreg:$0x2] =	wrdreg s3  }
0xa9: {  	[dreg:$0x3] =	wrdreg s5  }
0xaa: {  	[dreg:$0x4] =	wrdreg $0xC0  }
0xab: {  	_ =	task [dreg:s7], $0x5FFFF  }
0xac: {  	[dreg:$0x1] =	wrdreg $0xFFFFFFFF  }
0xad: {  	[dreg:$0x0] =	wrdreg $0x60  }
0xae: {  	[dreg:$0x2] =	wrdreg s2  }
0xaf: {  	[dreg:$0x3] =	wrdreg s24  }
0xb0: {  	[dreg:$0x4] =	wrdreg $0x9  }
0xb1: {  	_ =	task.clear_ibuf [dreg:s7], $0x5FFFF;
	_ =	strace $0x90000046  }
0xb2: {  	s29 =	simm.s32 $0x9;
	_ =	strace $0x80000048  }
0xb3: {  	_ =	swait.ge [sflag:s29], $0x1  }
0xb4: {  	[sflag:s29] =	ssyncadd.s32 $0xFFFFFFFF  }
0xb5: {  	_ =	strace $0x90000048  }
0xb6: {  	_ =	sfence  }
0xb7: {  	s30 =	sld [smem:$0x0];
	_ =	sdelay $0x2  }
0xb8: {  	s31 =	sshll.u32 s1, $0xD;
	s1 =	sshrl.u32 s1, $0x2  }
0xb9: {  	s3 =	sand.u32 $0x4000, s31;
	s1 =	sadd.s32 s1, s30  }
0xba: {  	s0 =	sor.u32 s3, s0;
	s1 =	sshll.u32 s1, $0x11  }
0xbb: {  	s0 =	sor.u32 s1, s0  }
0xbc: {  	s0 =	sadd.s32 $0x8F2B, s0  }
0xbd: {  	[sflag:s0] =	ssyncadd.remote.s32 $0x1  }
0xbe: {  	_ =	sfence.sel $0xFFFF  }
0xbf: {  	[dreg:$0x0] =	wrdreg $0xFFFFFFFF;
	(pc) =	sbr.abs _section_cstart, $3  }
0xc0: {  	[dreg:$0x1] =	wrdreg $0xFFFFFFFF  }
0xc1: {  	_ =	task.clear_ibuf [dreg:s7], $0x2FFFF;
	_ =	strace $0x9FFFFFFF  }
0xc2: {  	(tm) =	ssettm $0x7FFFFFFF  }
0xc3: {  	_ =	shalt  }
tec
execute0_lowered:
.L_overlay_start_1:
0x0: {  	(tag) =	ssettag $0x1  }
0x1: {  	s1 =	srdreg.scid  }
0x2: {  	s0 =	stileid.u32;
	s2 =	rddreg [dreg:$0x0];
	s6 =	sand.u32 $0x1, s1  }
0x3: {  	s9 =	rddreg [dreg:$0x1];
	s30 =	sshll.u32 s0, $0x4;
	s3 =	sshll.u32 s6, $0x3  }
0x4: {  	s7 =	simm.s32 $0x80;
	s8 =	simm.s32 $0x1;
	s10 =	sor.u32 s3, s30  }
0x5: {  	s1 =	rddreg [dreg:$0x2];
	s3 =	simm.s32 $0x0;
	s4 =	sshrl.u32 s10, $0x3  }
0x6: {  	s11 =	ssub.s32 $0x2, s6;
	[smem:$0x7FF] =	sst s3;
	s4 =	sadd.s32 s4, s9  }
0x7: {  	_ =	strace $0x80000047;
	s5 =	sadd.s32 $0x1C00, s4;
	s4 =	simm.s32 $0x2  }
0x8: {  	[tilespmem:s3], [sflag:$0x2] =	stream.linear.gather [hbm4b:s5+s3], $0x8, $0x38;
	[tilespmem:$0x480] =	vst v63  }
0x9: {  	s6 =	simm.s32 $0x8;
	s12 =	sshrl.u32 s11, $0x1;
	_ =	swait.ge [sflag:s4], $0x8  }
0xa: {  	s10 =	sshll.u32 s10, $0x4;
	s31 =	ssub.s32 s11, s12;
	[sflag:s4] =	ssyncset.done $0x0  }
0xb: {  	s9 =	sadd.s32 s10, s9;
	s10 =	smax.u32 s31, $0x1;
	[sflag:s4] =	ssyncadd.s32 $0xFFFFFFF8  }
0xc: {  	[tilespmem:s7], [sflag:$0x1] =	stream.indirect.gather [hbm4b:s2+s6], $0x80, s3, s6, $0xb8;
	[tilespmem:$0x480] =	vst v63  }
0xd: {  	p0 =	sne.s32 s10, $0x1;
	_ =	swait.ge [sflag:s8], $0x400  }
.Ltmp0:
0xe: {  	[sflag:s8] =	ssyncset.done $0x0;
	(pc) =	sbr.rel @!p0 .LBB2_2-.Ltmp0, $4  }
0xf: {  	s9 =	sadd.s32 $0x1E00, s9;
	[sflag:s8] =	ssyncadd.s32 $0xFFFFFC00  }
0x10: {  	[hbm4b:s9+s3] =	stream.linear.scatter [tilespmem:s7], [sflag:$0x2], $0x400, $0x38;
	[tilespmem:$0x480] =	vst v63  }
0x11: {  	_ =	swait.ge [sflag:s4], $0x400  }
0x12: {  	s10 =	sadd.s32 $0xFFFFFFFF, s10;
	[sflag:s4] =	ssyncset.done $0x0  }
.LBB2_1:
0x13: {  	p0 =	sne.s32 s10, $0x1;
	s10 =	sadd.s32 $0xFFFFFFFF, s10;
	[sflag:s4] =	ssyncadd.s32 $0xFFFFFC00  }
0x14: {  	[tilespmem:s3], [sflag:$0x2] =	stream.linear.gather [hbm4b:s5+s3], $0x8, $0x38;
	[tilespmem:$0x480] =	vst v63  }
0x15: {  	_ =	swait.ge [sflag:s4], $0x8  }
0x16: {  	[sflag:s4] =	ssyncset.done $0x0  }
0x17: {  	[sflag:s4] =	ssyncadd.s32 $0xFFFFFFF8  }
0x18: {  	[tilespmem:s7], [sflag:$0x1] =	stream.indirect.gather [hbm4b:s2+s6], $0x80, s3, s6, $0xb8;
	[tilespmem:$0x480] =	vst v63  }
0x19: {  	_ =	swait.ge [sflag:s8], $0x400  }
.Ltmp1:
0x1a: {  	[sflag:s8] =	ssyncset.done $0x0;
	(pc) =	sbr.rel @p0 .LBB2_1-.Ltmp1, $4  }
0x1b: {  	[sflag:s8] =	ssyncadd.s32 $0xFFFFFC00  }
0x1c: {  	[hbm4b:s9+s3] =	stream.linear.scatter [tilespmem:s7], [sflag:$0x2], $0x400, $0x38;
	[tilespmem:$0x480] =	vst v63  }
0x1d: {  	_ =	swait.ge [sflag:s4], $0x400  }
0x1e: {  	[sflag:s4] =	ssyncset.done $0x0  }
.LBB2_2:
0x1f: {  	[sflag:s4] =	ssyncadd.s32 $0xFFFFFC00  }
0x20: {  	_ =	sfence.sel $0x180000  }
0x21: {  	[bflag:$0x0] =	sbarrier.arrive $0xFFFF  }
0x22: {  	p0 =	sne.s32 s0, $0x0;
	_ =	strace $0x90000047  }
0x23: {  	s0 =	sadd.s32 @!p0 $0x100000, s1;
	[bflag:$0x2] =	sbarrier.arrive $0xFFFF  }
0x24: {  	[sflag:s0] =	ssyncadd.tile.s32 @!p0 $0x1;
	_ =	shalt  }
.Lfunc_end2:
_tile_overlayer_lowered:
.L_overlay_start_2:
0x25: {  	(tag) =	ssettag $0x2  }
0x26: {  	s0 =	rddreg [dreg:$0x0];
	s2 =	stileid.u32  }
0x27: {  	s1 =	rddreg [dreg:$0x1];
	p0 =	sne.s32 s2, $0x0  }
0x28: {  	s3 =	rddreg [dreg:$0x2];
	[bflag:$0x3] =	sbarrier.arrive $0xFFFF;
	s2 =	simm.s32 @!p0 $0x1C02  }
0x29: {  	[timem:s3], [sflag:s2] =	dma.local @!p0 [hbm:s0], s1  }
0x2a: {  	s0 =	simm.s32 @!p0 $0x2  }
0x2b: {  	_ =	swait.ge @!p0 [sflag:s0], s1  }
0x2c: {  	s1 =	ssub.s32 @!p0 $0x0, s1;
	[sflag:s0] =	ssyncset.done @!p0 $0x0  }
0x2d: {  	[sflag:s0] =	ssyncadd.s32 @!p0 s1  }
0x2e: {  	[bflag:$0x3] =	sbarrier.arrive $0xFFFF  }
0x2f: {  	_ =	shalt  }

</sc_bundles>
